<compile_context>
chip_gen: v7x
topology: tpu7x:2x2x1
jax: 0.10.2.dev20260603
libtpu: 0.0.44.dev20260713+nightly
codegen_flags: <defaults>
</compile_context>

<pallas_src>
import functools

import jax
import jax.numpy as jnp
from jax import lax
from jax.experimental import pallas as pl
from jax.experimental.pallas import tpu as pltpu
from jax.experimental.pallas import tpu_sc as plsc

_N = 16384
_D = 32
_K = 8192

_NT = 2048
_KT = 4096
_NB = _N // _NT
_KB = _K // _KT

_NC = 2
_NS = 16
_NW = _NC * _NS
_BPW = _N // _NW
_CHUNK = 128
_NCHUNK = _BPW // _CHUNK


_KH = _KB // 2


def _argmax_body(h_ref, et_ref, s_ref, e2_ref, idx_ref,
                 max_a, idx_a, max_b, idx_b):
    k = pl.program_id(1)
    nk = pl.num_programs(1)

    m = jnp.dot(h_ref[...], et_ref[...], preferred_element_type=jnp.float32)
    dist = (2.0 * m - s_ref[...]) - e2_ref[...]

    _CH = 128
    lane = lax.broadcasted_iota(jnp.int32, (_NT, _CH), 1)
    acc_v = dist[:, :_CH]
    acc_i = lane
    for c in range(1, _KT // _CH):
        chunk = dist[:, c * _CH:(c + 1) * _CH]
        w = chunk > acc_v
        acc_i = jnp.where(w, lane + c * _CH, acc_i)
        acc_v = jnp.where(w, chunk, acc_v)
    mx = jnp.max(acc_v, axis=1, keepdims=True)
    cand = jnp.min(jnp.where(acc_v == mx, acc_i, jnp.int32(_K)), axis=1,
                   keepdims=True) + k * _KT

    in_b = k >= _KH
    first = jnp.logical_or(k == 0, k == _KH)

    @pl.when(first)
    def _():
        @pl.when(in_b)
        def _():
            max_b[...] = mx
            idx_b[...] = cand

        @pl.when(jnp.logical_not(in_b))
        def _():
            max_a[...] = mx
            idx_a[...] = cand

    @pl.when(jnp.logical_not(first))
    def _():
        @pl.when(in_b)
        def _():
            better = mx > max_b[...]
            idx_b[...] = jnp.where(better, cand, idx_b[...])
            max_b[...] = jnp.where(better, mx, max_b[...])

        @pl.when(jnp.logical_not(in_b))
        def _():
            better = mx > max_a[...]
            idx_a[...] = jnp.where(better, cand, idx_a[...])
            max_a[...] = jnp.where(better, mx, max_a[...])

    @pl.when(k == nk - 1)
    def _():
        va_rounded = max_a[...].astype(jnp.bfloat16).astype(jnp.float32)
        b_wins = max_b[...] > va_rounded
        idx_ref[...] = jnp.where(b_wins, idx_b[...], idx_a[...])


def _dist_argmax(h, et, s, e2):
    return pl.pallas_call(
        _argmax_body,
        grid=(_NB, _KB),
        in_specs=[
            pl.BlockSpec((_NT, _D), lambda n, k: (n, 0)),
            pl.BlockSpec((_D, _KT), lambda n, k: (0, k)),
            pl.BlockSpec((_NT, 1), lambda n, k: (n, 0)),
            pl.BlockSpec((1, _KT), lambda n, k: (0, k)),
        ],
        out_specs=pl.BlockSpec((_NT, 1), lambda n, k: (n, 0)),
        out_shape=jax.ShapeDtypeStruct((_N, 1), jnp.int32),
        scratch_shapes=[
            pltpu.VMEM((_NT, 1), jnp.float32),
            pltpu.VMEM((_NT, 1), jnp.int32),
            pltpu.VMEM((_NT, 1), jnp.float32),
            pltpu.VMEM((_NT, 1), jnp.int32),
        ],
    )(h, et, s, e2)


_DP = 128


@functools.cache
def _sc_gather_fn():
    @functools.partial(
        pl.kernel,
        mesh=plsc.VectorSubcoreMesh(core_axis_name="c", subcore_axis_name="s"),
        out_type=jax.ShapeDtypeStruct((_N, _DP), jnp.float32),
        scratch_types=[
            pltpu.VMEM((_NCHUNK, _CHUNK), jnp.int32),
            pltpu.VMEM((_BPW, _DP), jnp.float32),
            pltpu.SemaphoreType.DMA,
        ],
    )
    def _sc_gather(idx_hbm, table_hbm, out_hbm, idx_v, rows_v, sem):
        wid = lax.axis_index("s") * _NC + lax.axis_index("c")
        pltpu.sync_copy(idx_hbm.at[pl.ds(wid * _NCHUNK, _NCHUNK)], idx_v)
        copies = [
            pltpu.async_copy(
                table_hbm.at[idx_v.at[j]],
                rows_v.at[pl.ds(j * _CHUNK, _CHUNK)],
                sem,
            )
            for j in range(_NCHUNK)
        ]
        for c in copies:
            c.wait()
        pltpu.sync_copy(rows_v, out_hbm.at[pl.ds(wid * _BPW, _BPW)])

    return _sc_gather


def kernel(hidden_states, embed):
    shape = hidden_states.shape
    h = hidden_states.reshape((-1, shape[-1]))
    et = embed.T
    scaled_states = jnp.sum(h ** 2, axis=1, keepdims=True)
    e2 = jnp.sum(et ** 2, axis=0, keepdims=True)
    idx = _dist_argmax(h.astype(jnp.bfloat16), et.astype(jnp.bfloat16),
                       scaled_states, e2)
    table_pad = jnp.pad(embed, ((0, 0), (0, _DP - _D)))
    rows = _sc_gather_fn()(idx.reshape(_N // _CHUNK, _CHUNK), table_pad)
    return rows[:, :_D].reshape(shape)

# --- scband reference (transcript-rebuilt; emitter-appended) ---
"""Pipeline reference for scband-encodec-euclidean-codebook-23356032156247 (READ-ONLY COPY).

The authoritative reference and input builder live on the scoring server;
editing this copy changes nothing except your own understanding.
"""

import jax, jax.numpy as jnp
import numpy as np


def setup_inputs(seed: int = 0) -> dict:
    key = jax.random.key(seed)
    k1, k2 = jax.random.split(key)
    hidden_states = jax.random.normal(k1, (8, 2048, 32), dtype=jnp.float32)
    embed = jax.random.normal(k2, (8192, 32), dtype=jnp.float32)
    return {"hidden_states": hidden_states, "embed": embed}


def reference(hidden_states, embed):
    # encode: flatten, euclidean-distance quantize to nearest codebook entry
    shape = hidden_states.shape
    h = hidden_states.reshape((-1, shape[-1]))
    et = embed.T  # [dim, K]
    scaled_states = jnp.sum(h ** 2, axis=1, keepdims=True)  # [N, 1]
    dist = -(scaled_states - 2.0 * (h @ et) + jnp.sum(et ** 2, axis=0, keepdims=True))  # [N, K]
    embed_ind = jnp.argmax(dist, axis=-1)  # nearest codebook index
    embed_ind = embed_ind.reshape(shape[:-1])
    # decode: embedding lookup into codebook
    quantize = jnp.take(embed, embed_ind, axis=0)
    return quantize

if __name__ == "__main__":
    import jax
    _d = setup_inputs()
    print(jax.jit(kernel)(*tuple(_d.values())))

</pallas_src>

<mosaic_0001>
#map = affine_map<(d0, d1) -> (0, 0)>
module attributes {stable_mosaic.version = 14 : i64} {
  func.func @_sc_gather(%arg0: i32, %arg1: i32, %arg2: memref<128x128xi32, #tpu.memory_space<hbm>>, %arg3: memref<8192x128xf32, #tpu.memory_space<hbm>>, %arg4: memref<16384x128xf32, #tpu.memory_space<hbm>>, %arg5: memref<4x128xi32, #tpu.memory_space<vmem>>, %arg6: memref<512x128xf32, #tpu.memory_space<vmem>>, %arg7: memref<!tpu.dma_semaphore, #tpu.memory_space<semaphore_mem>>) attributes {dimension_semantics = [#tpu.dimension_semantics<core_parallel>, #tpu.dimension_semantics<subcore_parallel>], iteration_bounds = array<i64: 2, 16>, scalar_prefetch = 0 : i64, scratch_operands = 3 : i64, tpu.core_type = #tpu.core_type<sc_vector_subcore>, window_params = [{transform_indices = #map}, {transform_indices = #map}, {transform_indices = #map}]} {
    %mul3A = arith.constant 2 : i32
    %mul3A_0 = arith.muli %arg1, %mul3A : i32
    %add3A = arith.addi %mul3A_0, %arg0 : i32
    %mul3A_1 = arith.constant 4 : i32
    %mul3A_2 = arith.muli %add3A, %mul3A_1 : i32
    "tpu.region"() ({
      %run_scoped3A = tpu.sem_alloc : memref<!tpu.dma_semaphore, #tpu.memory_space<semaphore_mem>>
      %dma_start3A_83 = arith.constant 0 : i32
      %dma_start3A_84 = tpu.memref_slice %arg2[%mul3A_2, %dma_start3A_83] : memref<128x128xi32, #tpu.memory_space<hbm>> -> memref<4x128xi32, #tpu.memory_space<hbm>>
      %dma_start3A_85 = arith.constant 0 : i32
      %dma_start3A_86 = tpu.memref_slice %arg2[%mul3A_2, %dma_start3A_85] : memref<128x128xi32, #tpu.memory_space<hbm>> -> memref<4x128xi32, #tpu.memory_space<hbm>>
      tpu.enqueue_dma source(%dma_start3A_86 : memref<4x128xi32, #tpu.memory_space<hbm>>) target(%arg5 : memref<4x128xi32, #tpu.memory_space<vmem>>) target_semaphore(%run_scoped3A : memref<!tpu.dma_semaphore, #tpu.memory_space<semaphore_mem>>)
      %dma_wait3A_87 = arith.constant 0 : i32
      %dma_wait3A_88 = tpu.memref_slice %arg2[%mul3A_2, %dma_wait3A_87] : memref<128x128xi32, #tpu.memory_space<hbm>> -> memref<4x128xi32, #tpu.memory_space<hbm>>
      %dma_wait3A_89 = arith.constant 0 : i32
      %dma_wait3A_90 = tpu.memref_slice %arg2[%mul3A_2, %dma_wait3A_89] : memref<128x128xi32, #tpu.memory_space<hbm>> -> memref<4x128xi32, #tpu.memory_space<hbm>>
      tpu.wait_dma2 semaphore(%run_scoped3A : memref<!tpu.dma_semaphore, #tpu.memory_space<semaphore_mem>>) src(%dma_wait3A_90 : memref<4x128xi32, #tpu.memory_space<hbm>>) dst(%arg5 : memref<4x128xi32, #tpu.memory_space<vmem>>)
      tpu.yield
    }) : () -> ()
    %dma_start3A = arith.constant 0 : i32
    %dma_start3A_3 = arith.constant 0 : i32
    %dma_start3A_4 = arith.constant 0 : i32
    %dma_start3A_5 = tpu.memref_slice %arg6[%dma_start3A_3, %dma_start3A_4] : memref<512x128xf32, #tpu.memory_space<vmem>> -> memref<128x128xf32, #tpu.memory_space<vmem>>
    %dma_start3A_6 = arith.constant 0 : i32
    %dma_start3A_7 = tpu.memref_slice %arg5[%dma_start3A, %dma_start3A_6] : memref<4x128xi32, #tpu.memory_space<vmem>> -> memref<1x128xi32, #tpu.memory_space<vmem>>
    %dma_start3A_8 = tpu.memref_squeeze %dma_start3A_7 : memref<1x128xi32, #tpu.memory_space<vmem>> -> memref<128xi32, #tpu.memory_space<vmem>>
    %dma_start3A_9 = arith.constant 0 : i32
    %dma_start3A_10 = arith.constant 0 : i32
    %dma_start3A_11 = tpu.memref_slice %arg3[%dma_start3A_9, %dma_start3A_10] : memref<8192x128xf32, #tpu.memory_space<hbm>> -> memref<8192x128xf32, #tpu.memory_space<hbm>>
    tpu.enqueue_indirect_dma source(%dma_start3A_11 : memref<8192x128xf32, #tpu.memory_space<hbm>>) target(%dma_start3A_5 : memref<128x128xf32, #tpu.memory_space<vmem>>) offsets(%dma_start3A_8 : memref<128xi32, #tpu.memory_space<vmem>>) semaphore(%arg7 : memref<!tpu.dma_semaphore, #tpu.memory_space<semaphore_mem>>)
    %dma_start3A_12 = arith.constant 1 : i32
    %dma_start3A_13 = arith.constant 128 : i32
    %dma_start3A_14 = arith.constant 0 : i32
    %dma_start3A_15 = tpu.memref_slice %arg6[%dma_start3A_13, %dma_start3A_14] : memref<512x128xf32, #tpu.memory_space<vmem>> -> memref<128x128xf32, #tpu.memory_space<vmem>>
    %dma_start3A_16 = arith.constant 0 : i32
    %dma_start3A_17 = tpu.memref_slice %arg5[%dma_start3A_12, %dma_start3A_16] : memref<4x128xi32, #tpu.memory_space<vmem>> -> memref<1x128xi32, #tpu.memory_space<vmem>>
    %dma_start3A_18 = tpu.memref_squeeze %dma_start3A_17 : memref<1x128xi32, #tpu.memory_space<vmem>> -> memref<128xi32, #tpu.memory_space<vmem>>
    %dma_start3A_19 = arith.constant 0 : i32
    %dma_start3A_20 = arith.constant 0 : i32
    %dma_start3A_21 = tpu.memref_slice %arg3[%dma_start3A_19, %dma_start3A_20] : memref<8192x128xf32, #tpu.memory_space<hbm>> -> memref<8192x128xf32, #tpu.memory_space<hbm>>
    tpu.enqueue_indirect_dma source(%dma_start3A_21 : memref<8192x128xf32, #tpu.memory_space<hbm>>) target(%dma_start3A_15 : memref<128x128xf32, #tpu.memory_space<vmem>>) offsets(%dma_start3A_18 : memref<128xi32, #tpu.memory_space<vmem>>) semaphore(%arg7 : memref<!tpu.dma_semaphore, #tpu.memory_space<semaphore_mem>>)
    %dma_start3A_22 = arith.constant 2 : i32
    %dma_start3A_23 = arith.constant 256 : i32
    %dma_start3A_24 = arith.constant 0 : i32
    %dma_start3A_25 = tpu.memref_slice %arg6[%dma_start3A_23, %dma_start3A_24] : memref<512x128xf32, #tpu.memory_space<vmem>> -> memref<128x128xf32, #tpu.memory_space<vmem>>
    %dma_start3A_26 = arith.constant 0 : i32
    %dma_start3A_27 = tpu.memref_slice %arg5[%dma_start3A_22, %dma_start3A_26] : memref<4x128xi32, #tpu.memory_space<vmem>> -> memref<1x128xi32, #tpu.memory_space<vmem>>
    %dma_start3A_28 = tpu.memref_squeeze %dma_start3A_27 : memref<1x128xi32, #tpu.memory_space<vmem>> -> memref<128xi32, #tpu.memory_space<vmem>>
    %dma_start3A_29 = arith.constant 0 : i32
    %dma_start3A_30 = arith.constant 0 : i32
    %dma_start3A_31 = tpu.memref_slice %arg3[%dma_start3A_29, %dma_start3A_30] : memref<8192x128xf32, #tpu.memory_space<hbm>> -> memref<8192x128xf32, #tpu.memory_space<hbm>>
    tpu.enqueue_indirect_dma source(%dma_start3A_31 : memref<8192x128xf32, #tpu.memory_space<hbm>>) target(%dma_start3A_25 : memref<128x128xf32, #tpu.memory_space<vmem>>) offsets(%dma_start3A_28 : memref<128xi32, #tpu.memory_space<vmem>>) semaphore(%arg7 : memref<!tpu.dma_semaphore, #tpu.memory_space<semaphore_mem>>)
    %dma_start3A_32 = arith.constant 3 : i32
    %dma_start3A_33 = arith.constant 384 : i32
    %dma_start3A_34 = arith.constant 0 : i32
    %dma_start3A_35 = tpu.memref_slice %arg6[%dma_start3A_33, %dma_start3A_34] : memref<512x128xf32, #tpu.memory_space<vmem>> -> memref<128x128xf32, #tpu.memory_space<vmem>>
    %dma_start3A_36 = arith.constant 0 : i32
    %dma_start3A_37 = tpu.memref_slice %arg5[%dma_start3A_32, %dma_start3A_36] : memref<4x128xi32, #tpu.memory_space<vmem>> -> memref<1x128xi32, #tpu.memory_space<vmem>>
    %dma_start3A_38 = tpu.memref_squeeze %dma_start3A_37 : memref<1x128xi32, #tpu.memory_space<vmem>> -> memref<128xi32, #tpu.memory_space<vmem>>
    %dma_start3A_39 = arith.constant 0 : i32
    %dma_start3A_40 = arith.constant 0 : i32
    %dma_start3A_41 = tpu.memref_slice %arg3[%dma_start3A_39, %dma_start3A_40] : memref<8192x128xf32, #tpu.memory_space<hbm>> -> memref<8192x128xf32, #tpu.memory_space<hbm>>
    tpu.enqueue_indirect_dma source(%dma_start3A_41 : memref<8192x128xf32, #tpu.memory_space<hbm>>) target(%dma_start3A_35 : memref<128x128xf32, #tpu.memory_space<vmem>>) offsets(%dma_start3A_38 : memref<128xi32, #tpu.memory_space<vmem>>) semaphore(%arg7 : memref<!tpu.dma_semaphore, #tpu.memory_space<semaphore_mem>>)
    %dma_wait3A = arith.constant 0 : i32
    %dma_wait3A_42 = arith.constant 0 : i32
    %dma_wait3A_43 = arith.constant 0 : i32
    %dma_wait3A_44 = tpu.memref_slice %arg6[%dma_wait3A_42, %dma_wait3A_43] : memref<512x128xf32, #tpu.memory_space<vmem>> -> memref<128x128xf32, #tpu.memory_space<vmem>>
    %dma_wait3A_45 = arith.constant 0 : i32
    %dma_wait3A_46 = tpu.memref_slice %arg5[%dma_wait3A, %dma_wait3A_45] : memref<4x128xi32, #tpu.memory_space<vmem>> -> memref<1x128xi32, #tpu.memory_space<vmem>>
    %dma_wait3A_47 = tpu.memref_squeeze %dma_wait3A_46 : memref<1x128xi32, #tpu.memory_space<vmem>> -> memref<128xi32, #tpu.memory_space<vmem>>
    %dma_wait3A_48 = arith.constant 0 : i32
    %dma_wait3A_49 = arith.constant 0 : i32
    %dma_wait3A_50 = tpu.memref_slice %arg3[%dma_wait3A_48, %dma_wait3A_49] : memref<8192x128xf32, #tpu.memory_space<hbm>> -> memref<8192x128xf32, #tpu.memory_space<hbm>>
    tpu.wait_indirect_dma semaphore(%arg7 : memref<!tpu.dma_semaphore, #tpu.memory_space<semaphore_mem>>) src(%dma_wait3A_50 : memref<8192x128xf32, #tpu.memory_space<hbm>>) dst(%dma_wait3A_44 : memref<128x128xf32, #tpu.memory_space<vmem>>)
    %dma_wait3A_51 = arith.constant 1 : i32
    %dma_wait3A_52 = arith.constant 128 : i32
    %dma_wait3A_53 = arith.constant 0 : i32
    %dma_wait3A_54 = tpu.memref_slice %arg6[%dma_wait3A_52, %dma_wait3A_53] : memref<512x128xf32, #tpu.memory_space<vmem>> -> memref<128x128xf32, #tpu.memory_space<vmem>>
    %dma_wait3A_55 = arith.constant 0 : i32
    %dma_wait3A_56 = tpu.memref_slice %arg5[%dma_wait3A_51, %dma_wait3A_55] : memref<4x128xi32, #tpu.memory_space<vmem>> -> memref<1x128xi32, #tpu.memory_space<vmem>>
    %dma_wait3A_57 = tpu.memref_squeeze %dma_wait3A_56 : memref<1x128xi32, #tpu.memory_space<vmem>> -> memref<128xi32, #tpu.memory_space<vmem>>
    %dma_wait3A_58 = arith.constant 0 : i32
    %dma_wait3A_59 = arith.constant 0 : i32
    %dma_wait3A_60 = tpu.memref_slice %arg3[%dma_wait3A_58, %dma_wait3A_59] : memref<8192x128xf32, #tpu.memory_space<hbm>> -> memref<8192x128xf32, #tpu.memory_space<hbm>>
    tpu.wait_indirect_dma semaphore(%arg7 : memref<!tpu.dma_semaphore, #tpu.memory_space<semaphore_mem>>) src(%dma_wait3A_60 : memref<8192x128xf32, #tpu.memory_space<hbm>>) dst(%dma_wait3A_54 : memref<128x128xf32, #tpu.memory_space<vmem>>)
    %dma_wait3A_61 = arith.constant 2 : i32
    %dma_wait3A_62 = arith.constant 256 : i32
    %dma_wait3A_63 = arith.constant 0 : i32
    %dma_wait3A_64 = tpu.memref_slice %arg6[%dma_wait3A_62, %dma_wait3A_63] : memref<512x128xf32, #tpu.memory_space<vmem>> -> memref<128x128xf32, #tpu.memory_space<vmem>>
    %dma_wait3A_65 = arith.constant 0 : i32
    %dma_wait3A_66 = tpu.memref_slice %arg5[%dma_wait3A_61, %dma_wait3A_65] : memref<4x128xi32, #tpu.memory_space<vmem>> -> memref<1x128xi32, #tpu.memory_space<vmem>>
    %dma_wait3A_67 = tpu.memref_squeeze %dma_wait3A_66 : memref<1x128xi32, #tpu.memory_space<vmem>> -> memref<128xi32, #tpu.memory_space<vmem>>
    %dma_wait3A_68 = arith.constant 0 : i32
    %dma_wait3A_69 = arith.constant 0 : i32
    %dma_wait3A_70 = tpu.memref_slice %arg3[%dma_wait3A_68, %dma_wait3A_69] : memref<8192x128xf32, #tpu.memory_space<hbm>> -> memref<8192x128xf32, #tpu.memory_space<hbm>>
    tpu.wait_indirect_dma semaphore(%arg7 : memref<!tpu.dma_semaphore, #tpu.memory_space<semaphore_mem>>) src(%dma_wait3A_70 : memref<8192x128xf32, #tpu.memory_space<hbm>>) dst(%dma_wait3A_64 : memref<128x128xf32, #tpu.memory_space<vmem>>)
    %dma_wait3A_71 = arith.constant 3 : i32
    %dma_wait3A_72 = arith.constant 384 : i32
    %dma_wait3A_73 = arith.constant 0 : i32
    %dma_wait3A_74 = tpu.memref_slice %arg6[%dma_wait3A_72, %dma_wait3A_73] : memref<512x128xf32, #tpu.memory_space<vmem>> -> memref<128x128xf32, #tpu.memory_space<vmem>>
    %dma_wait3A_75 = arith.constant 0 : i32
    %dma_wait3A_76 = tpu.memref_slice %arg5[%dma_wait3A_71, %dma_wait3A_75] : memref<4x128xi32, #tpu.memory_space<vmem>> -> memref<1x128xi32, #tpu.memory_space<vmem>>
    %dma_wait3A_77 = tpu.memref_squeeze %dma_wait3A_76 : memref<1x128xi32, #tpu.memory_space<vmem>> -> memref<128xi32, #tpu.memory_space<vmem>>
    %dma_wait3A_78 = arith.constant 0 : i32
    %dma_wait3A_79 = arith.constant 0 : i32
    %dma_wait3A_80 = tpu.memref_slice %arg3[%dma_wait3A_78, %dma_wait3A_79] : memref<8192x128xf32, #tpu.memory_space<hbm>> -> memref<8192x128xf32, #tpu.memory_space<hbm>>
    tpu.wait_indirect_dma semaphore(%arg7 : memref<!tpu.dma_semaphore, #tpu.memory_space<semaphore_mem>>) src(%dma_wait3A_80 : memref<8192x128xf32, #tpu.memory_space<hbm>>) dst(%dma_wait3A_74 : memref<128x128xf32, #tpu.memory_space<vmem>>)
    %mul3A_81 = arith.constant 512 : i32
    %mul3A_82 = arith.muli %add3A, %mul3A_81 : i32
    "tpu.region"() ({
      %run_scoped3A = tpu.sem_alloc : memref<!tpu.dma_semaphore, #tpu.memory_space<semaphore_mem>>
      %dma_start3A_83 = arith.constant 0 : i32
      %dma_start3A_84 = tpu.memref_slice %arg4[%mul3A_82, %dma_start3A_83] : memref<16384x128xf32, #tpu.memory_space<hbm>> -> memref<512x128xf32, #tpu.memory_space<hbm>>
      %dma_start3A_85 = arith.constant 0 : i32
      %dma_start3A_86 = tpu.memref_slice %arg4[%mul3A_82, %dma_start3A_85] : memref<16384x128xf32, #tpu.memory_space<hbm>> -> memref<512x128xf32, #tpu.memory_space<hbm>>
      tpu.enqueue_dma source(%arg6 : memref<512x128xf32, #tpu.memory_space<vmem>>) target(%dma_start3A_86 : memref<512x128xf32, #tpu.memory_space<hbm>>) target_semaphore(%run_scoped3A : memref<!tpu.dma_semaphore, #tpu.memory_space<semaphore_mem>>)
      %dma_wait3A_87 = arith.constant 0 : i32
      %dma_wait3A_88 = tpu.memref_slice %arg4[%mul3A_82, %dma_wait3A_87] : memref<16384x128xf32, #tpu.memory_space<hbm>> -> memref<512x128xf32, #tpu.memory_space<hbm>>
      %dma_wait3A_89 = arith.constant 0 : i32
      %dma_wait3A_90 = tpu.memref_slice %arg4[%mul3A_82, %dma_wait3A_89] : memref<16384x128xf32, #tpu.memory_space<hbm>> -> memref<512x128xf32, #tpu.memory_space<hbm>>
      tpu.wait_dma2 semaphore(%run_scoped3A : memref<!tpu.dma_semaphore, #tpu.memory_space<semaphore_mem>>) src(%arg6 : memref<512x128xf32, #tpu.memory_space<vmem>>) dst(%dma_wait3A_90 : memref<512x128xf32, #tpu.memory_space<hbm>>)
      tpu.yield
    }) : () -> ()
    return
  }
}

module attributes {stable_mosaic.version = 14 : i64} {
  func.func @_argmax_body(%arg0: i32, %arg1: i32, %arg2: memref<2048x32xbf16, #tpu.memory_space<vmem>>, %arg3: memref<32x4096xbf16, #tpu.memory_space<vmem>>, %arg4: memref<2048x1xf32, #tpu.memory_space<vmem>>, %arg5: memref<1x4096xf32, #tpu.memory_space<vmem>>, %arg6: memref<2048x1xi32, #tpu.memory_space<vmem>>, %arg7: memref<2048x1xf32, #tpu.memory_space<vmem>>, %arg8: memref<2048x1xi32, #tpu.memory_space<vmem>>, %arg9: memref<2048x1xf32, #tpu.memory_space<vmem>>, %arg10: memref<2048x1xi32, #tpu.memory_space<vmem>>) attributes {dimension_semantics = [#tpu.dimension_semantics<arbitrary>, #tpu.dimension_semantics<arbitrary>], iteration_bounds = array<i64: 8, 2>, scalar_prefetch = 0 : i64, scratch_operands = 4 : i64, tpu.core_type = #tpu.core_type<tc>, window_params = [{transform_indices = @transform_0, window_bounds = array<i64: 2048, 32>}, {transform_indices = @transform_1, window_bounds = array<i64: 32, 4096>}, {transform_indices = @transform_2, window_bounds = array<i64: 2048, 1>}, {transform_indices = @transform_3, window_bounds = array<i64: 1, 4096>}, {transform_indices = @transform_4, window_bounds = array<i64: 2048, 1>}]} {
    %get3A = arith.constant 0 : index
    %get3A_0 = arith.constant 0 : index
    %get3A_1 = vector.load %arg2[%get3A, %get3A_0] : memref<2048x32xbf16, #tpu.memory_space<vmem>>, vector<2048x32xbf16>
    %get3A_2 = arith.constant 0 : index
    %get3A_3 = arith.constant 0 : index
    %get3A_4 = vector.load %arg3[%get3A_2, %get3A_3] : memref<32x4096xbf16, #tpu.memory_space<vmem>>, vector<32x4096xbf16>
    %dot_general3A = arith.constant dense<0.000000e+00> : vector<2048x4096xf32>
    %dot_general3A_5 = tpu.matmul %get3A_1, %get3A_4, %dot_general3A {dimension_numbers = #tpu.dot_dimension_numbers<[1], [0], [0], [1], [0, 0, 1, 1], [], []>, transpose_lhs_hint = false} : vector<2048x32xbf16>, vector<32x4096xbf16>, vector<2048x4096xf32> -> vector<2048x4096xf32>
    %mul3A = arith.constant 2.000000e+00 : f32
    %mul3A_6 = vector.broadcast %mul3A : f32 to vector<2048x4096xf32>
    %mul3A_7 = arith.mulf %mul3A_6, %dot_general3A_5 : vector<2048x4096xf32>
    %get3A_8 = arith.constant 0 : index
    %get3A_9 = arith.constant 0 : index
    %get3A_10 = vector.load %arg4[%get3A_8, %get3A_9] : memref<2048x1xf32, #tpu.memory_space<vmem>>, vector<2048x1xf32>
    %sub3A = vector.broadcast %get3A_10 : vector<2048x1xf32> to vector<2048x4096xf32>
    %sub3A_11 = arith.subf %mul3A_7, %sub3A : vector<2048x4096xf32>
    %get3A_12 = arith.constant 0 : index
    %get3A_13 = arith.constant 0 : index
    %get3A_14 = vector.load %arg5[%get3A_12, %get3A_13] : memref<1x4096xf32, #tpu.memory_space<vmem>>, vector<1x4096xf32>
    %sub3A_15 = vector.broadcast %get3A_14 : vector<1x4096xf32> to vector<2048x4096xf32>
    %sub3A_16 = arith.subf %sub3A_11, %sub3A_15 : vector<2048x4096xf32>
    %iota3A = tpu.iota {dimensions = array<i32: 1>} : vector<2048x128xi32>
    %slice3A = vector.extract_strided_slice %sub3A_16 {offsets = [0, 0], sizes = [2048, 128], strides = [1, 1]} : vector<2048x4096xf32> to vector<2048x128xf32>
    %slice3A_17 = vector.extract_strided_slice %sub3A_16 {offsets = [0, 128], sizes = [2048, 128], strides = [1, 1]} : vector<2048x4096xf32> to vector<2048x128xf32>
    %gt3A = arith.cmpf ogt, %slice3A_17, %slice3A : vector<2048x128xf32>
    %add3A = arith.constant 128 : i32
    %add3A_18 = vector.broadcast %add3A : i32 to vector<2048x128xi32>
    %add3A_19 = arith.addi %iota3A, %add3A_18 : vector<2048x128xi32>
    %select_n3A = arith.select %gt3A, %add3A_19, %iota3A : vector<2048x128xi1>, vector<2048x128xi32>
    %select_n3A_20 = arith.select %gt3A, %slice3A_17, %slice3A : vector<2048x128xi1>, vector<2048x128xf32>
    %slice3A_21 = vector.extract_strided_slice %sub3A_16 {offsets = [0, 256], sizes = [2048, 128], strides = [1, 1]} : vector<2048x4096xf32> to vector<2048x128xf32>
    %gt3A_22 = arith.cmpf ogt, %slice3A_21, %select_n3A_20 : vector<2048x128xf32>
    %add3A_23 = arith.constant 256 : i32
    %add3A_24 = vector.broadcast %add3A_23 : i32 to vector<2048x128xi32>
    %add3A_25 = arith.addi %iota3A, %add3A_24 : vector<2048x128xi32>
    %select_n3A_26 = arith.select %gt3A_22, %add3A_25, %select_n3A : vector<2048x128xi1>, vector<2048x128xi32>
    %select_n3A_27 = arith.select %gt3A_22, %slice3A_21, %select_n3A_20 : vector<2048x128xi1>, vector<2048x128xf32>
    %slice3A_28 = vector.extract_strided_slice %sub3A_16 {offsets = [0, 384], sizes = [2048, 128], strides = [1, 1]} : vector<2048x4096xf32> to vector<2048x128xf32>
    %gt3A_29 = arith.cmpf ogt, %slice3A_28, %select_n3A_27 : vector<2048x128xf32>
    %add3A_30 = arith.constant 384 : i32
    %add3A_31 = vector.broadcast %add3A_30 : i32 to vector<2048x128xi32>
    %add3A_32 = arith.addi %iota3A, %add3A_31 : vector<2048x128xi32>
    %select_n3A_33 = arith.select %gt3A_29, %add3A_32, %select_n3A_26 : vector<2048x128xi1>, vector<2048x128xi32>
    %select_n3A_34 = arith.select %gt3A_29, %slice3A_28, %select_n3A_27 : vector<2048x128xi1>, vector<2048x128xf32>
    %slice3A_35 = vector.extract_strided_slice %sub3A_16 {offsets = [0, 512], sizes = [2048, 128], strides = [1, 1]} : vector<2048x4096xf32> to vector<2048x128xf32>
    %gt3A_36 = arith.cmpf ogt, %slice3A_35, %select_n3A_34 : vector<2048x128xf32>
    %add3A_37 = arith.constant 512 : i32
    %add3A_38 = vector.broadcast %add3A_37 : i32 to vector<2048x128xi32>
    %add3A_39 = arith.addi %iota3A, %add3A_38 : vector<2048x128xi32>
    %select_n3A_40 = arith.select %gt3A_36, %add3A_39, %select_n3A_33 : vector<2048x128xi1>, vector<2048x128xi32>
    %select_n3A_41 = arith.select %gt3A_36, %slice3A_35, %select_n3A_34 : vector<2048x128xi1>, vector<2048x128xf32>
    %slice3A_42 = vector.extract_strided_slice %sub3A_16 {offsets = [0, 640], sizes = [2048, 128], strides = [1, 1]} : vector<2048x4096xf32> to vector<2048x128xf32>
    %gt3A_43 = arith.cmpf ogt, %slice3A_42, %select_n3A_41 : vector<2048x128xf32>
    %add3A_44 = arith.constant 640 : i32
    %add3A_45 = vector.broadcast %add3A_44 : i32 to vector<2048x128xi32>
    %add3A_46 = arith.addi %iota3A, %add3A_45 : vector<2048x128xi32>
    %select_n3A_47 = arith.select %gt3A_43, %add3A_46, %select_n3A_40 : vector<2048x128xi1>, vector<2048x128xi32>
    %select_n3A_48 = arith.select %gt3A_43, %slice3A_42, %select_n3A_41 : vector<2048x128xi1>, vector<2048x128xf32>
    %slice3A_49 = vector.extract_strided_slice %sub3A_16 {offsets = [0, 768], sizes = [2048, 128], strides = [1, 1]} : vector<2048x4096xf32> to vector<2048x128xf32>
    %gt3A_50 = arith.cmpf ogt, %slice3A_49, %select_n3A_48 : vector<2048x128xf32>
    %add3A_51 = arith.constant 768 : i32
    %add3A_52 = vector.broadcast %add3A_51 : i32 to vector<2048x128xi32>
    %add3A_53 = arith.addi %iota3A, %add3A_52 : vector<2048x128xi32>
    %select_n3A_54 = arith.select %gt3A_50, %add3A_53, %select_n3A_47 : vector<2048x128xi1>, vector<2048x128xi32>
    %select_n3A_55 = arith.select %gt3A_50, %slice3A_49, %select_n3A_48 : vector<2048x128xi1>, vector<2048x128xf32>
    %slice3A_56 = vector.extract_strided_slice %sub3A_16 {offsets = [0, 896], sizes = [2048, 128], strides = [1, 1]} : vector<2048x4096xf32> to vector<2048x128xf32>
    %gt3A_57 = arith.cmpf ogt, %slice3A_56, %select_n3A_55 : vector<2048x128xf32>
    %add3A_58 = arith.constant 896 : i32
    %add3A_59 = vector.broadcast %add3A_58 : i32 to vector<2048x128xi32>
    %add3A_60 = arith.addi %iota3A, %add3A_59 : vector<2048x128xi32>
    %select_n3A_61 = arith.select %gt3A_57, %add3A_60, %select_n3A_54 : vector<2048x128xi1>, vector<2048x128xi32>
    %select_n3A_62 = arith.select %gt3A_57, %slice3A_56, %select_n3A_55 : vector<2048x128xi1>, vector<2048x128xf32>
    %slice3A_63 = vector.extract_strided_slice %sub3A_16 {offsets = [0, 1024], sizes = [2048, 128], strides = [1, 1]} : vector<2048x4096xf32> to vector<2048x128xf32>
    %gt3A_64 = arith.cmpf ogt, %slice3A_63, %select_n3A_62 : vector<2048x128xf32>
    %add3A_65 = arith.constant 1024 : i32
    %add3A_66 = vector.broadcast %add3A_65 : i32 to vector<2048x128xi32>
    %add3A_67 = arith.addi %iota3A, %add3A_66 : vector<2048x128xi32>
    %select_n3A_68 = arith.select %gt3A_64, %add3A_67, %select_n3A_61 : vector<2048x128xi1>, vector<2048x128xi32>
    %select_n3A_69 = arith.select %gt3A_64, %slice3A_63, %select_n3A_62 : vector<2048x128xi1>, vector<2048x128xf32>
    %slice3A_70 = vector.extract_strided_slice %sub3A_16 {offsets = [0, 1152], sizes = [2048, 128], strides = [1, 1]} : vector<2048x4096xf32> to vector<2048x128xf32>
    %gt3A_71 = arith.cmpf ogt, %slice3A_70, %select_n3A_69 : vector<2048x128xf32>
    %add3A_72 = arith.constant 1152 : i32
    %add3A_73 = vector.broadcast %add3A_72 : i32 to vector<2048x128xi32>
    %add3A_74 = arith.addi %iota3A, %add3A_73 : vector<2048x128xi32>
    %select_n3A_75 = arith.select %gt3A_71, %add3A_74, %select_n3A_68 : vector<2048x128xi1>, vector<2048x128xi32>
    %select_n3A_76 = arith.select %gt3A_71, %slice3A_70, %select_n3A_69 : vector<2048x128xi1>, vector<2048x128xf32>
    %slice3A_77 = vector.extract_strided_slice %sub3A_16 {offsets = [0, 1280], sizes = [2048, 128], strides = [1, 1]} : vector<2048x4096xf32> to vector<2048x128xf32>
    %gt3A_78 = arith.cmpf ogt, %slice3A_77, %select_n3A_76 : vector<2048x128xf32>
    %add3A_79 = arith.constant 1280 : i32
    %add3A_80 = vector.broadcast %add3A_79 : i32 to vector<2048x128xi32>
    %add3A_81 = arith.addi %iota3A, %add3A_80 : vector<2048x128xi32>
    %select_n3A_82 = arith.select %gt3A_78, %add3A_81, %select_n3A_75 : vector<2048x128xi1>, vector<2048x128xi32>
    %select_n3A_83 = arith.select %gt3A_78, %slice3A_77, %select_n3A_76 : vector<2048x128xi1>, vector<2048x128xf32>
    %slice3A_84 = vector.extract_strided_slice %sub3A_16 {offsets = [0, 1408], sizes = [2048, 128], strides = [1, 1]} : vector<2048x4096xf32> to vector<2048x128xf32>
    %gt3A_85 = arith.cmpf ogt, %slice3A_84, %select_n3A_83 : vector<2048x128xf32>
    %add3A_86 = arith.constant 1408 : i32
    %add3A_87 = vector.broadcast %add3A_86 : i32 to vector<2048x128xi32>
    %add3A_88 = arith.addi %iota3A, %add3A_87 : vector<2048x128xi32>
    %select_n3A_89 = arith.select %gt3A_85, %add3A_88, %select_n3A_82 : vector<2048x128xi1>, vector<2048x128xi32>
    %select_n3A_90 = arith.select %gt3A_85, %slice3A_84, %select_n3A_83 : vector<2048x128xi1>, vector<2048x128xf32>
    %slice3A_91 = vector.extract_strided_slice %sub3A_16 {offsets = [0, 1536], sizes = [2048, 128], strides = [1, 1]} : vector<2048x4096xf32> to vector<2048x128xf32>
    %gt3A_92 = arith.cmpf ogt, %slice3A_91, %select_n3A_90 : vector<2048x128xf32>
    %add3A_93 = arith.constant 1536 : i32
    %add3A_94 = vector.broadcast %add3A_93 : i32 to vector<2048x128xi32>
    %add3A_95 = arith.addi %iota3A, %add3A_94 : vector<2048x128xi32>
    %select_n3A_96 = arith.select %gt3A_92, %add3A_95, %select_n3A_89 : vector<2048x128xi1>, vector<2048x128xi32>
    %select_n3A_97 = arith.select %gt3A_92, %slice3A_91, %select_n3A_90 : vector<2048x128xi1>, vector<2048x128xf32>
    %slice3A_98 = vector.extract_strided_slice %sub3A_16 {offsets = [0, 1664], sizes = [2048, 128], strides = [1, 1]} : vector<2048x4096xf32> to vector<2048x128xf32>
    %gt3A_99 = arith.cmpf ogt, %slice3A_98, %select_n3A_97 : vector<2048x128xf32>
    %add3A_100 = arith.constant 1664 : i32
    %add3A_101 = vector.broadcast %add3A_100 : i32 to vector<2048x128xi32>
    %add3A_102 = arith.addi %iota3A, %add3A_101 : vector<2048x128xi32>
    %select_n3A_103 = arith.select %gt3A_99, %add3A_102, %select_n3A_96 : vector<2048x128xi1>, vector<2048x128xi32>
    %select_n3A_104 = arith.select %gt3A_99, %slice3A_98, %select_n3A_97 : vector<2048x128xi1>, vector<2048x128xf32>
    %slice3A_105 = vector.extract_strided_slice %sub3A_16 {offsets = [0, 1792], sizes = [2048, 128], strides = [1, 1]} : vector<2048x4096xf32> to vector<2048x128xf32>
    %gt3A_106 = arith.cmpf ogt, %slice3A_105, %select_n3A_104 : vector<2048x128xf32>
    %add3A_107 = arith.constant 1792 : i32
    %add3A_108 = vector.broadcast %add3A_107 : i32 to vector<2048x128xi32>
    %add3A_109 = arith.addi %iota3A, %add3A_108 : vector<2048x128xi32>
    %select_n3A_110 = arith.select %gt3A_106, %add3A_109, %select_n3A_103 : vector<2048x128xi1>, vector<2048x128xi32>
    %select_n3A_111 = arith.select %gt3A_106, %slice3A_105, %select_n3A_104 : vector<2048x128xi1>, vector<2048x128xf32>
    %slice3A_112 = vector.extract_strided_slice %sub3A_16 {offsets = [0, 1920], sizes = [2048, 128], strides = [1, 1]} : vector<2048x4096xf32> to vector<2048x128xf32>
    %gt3A_113 = arith.cmpf ogt, %slice3A_112, %select_n3A_111 : vector<2048x128xf32>
    %add3A_114 = arith.constant 1920 : i32
    %add3A_115 = vector.broadcast %add3A_114 : i32 to vector<2048x128xi32>
    %add3A_116 = arith.addi %iota3A, %add3A_115 : vector<2048x128xi32>
    %select_n3A_117 = arith.select %gt3A_113, %add3A_116, %select_n3A_110 : vector<2048x128xi1>, vector<2048x128xi32>
    %select_n3A_118 = arith.select %gt3A_113, %slice3A_112, %select_n3A_111 : vector<2048x128xi1>, vector<2048x128xf32>
    %slice3A_119 = vector.extract_strided_slice %sub3A_16 {offsets = [0, 2048], sizes = [2048, 128], strides = [1, 1]} : vector<2048x4096xf32> to vector<2048x128xf32>
    %gt3A_120 = arith.cmpf ogt, %slice3A_119, %select_n3A_118 : vector<2048x128xf32>
    %add3A_121 = arith.constant 2048 : i32
    %add3A_122 = vector.broadcast %add3A_121 : i32 to vector<2048x128xi32>
    %add3A_123 = arith.addi %iota3A, %add3A_122 : vector<2048x128xi32>
    %select_n3A_124 = arith.select %gt3A_120, %add3A_123, %select_n3A_117 : vector<2048x128xi1>, vector<2048x128xi32>
    %select_n3A_125 = arith.select %gt3A_120, %slice3A_119, %select_n3A_118 : vector<2048x128xi1>, vector<2048x128xf32>
    %slice3A_126 = vector.extract_strided_slice %sub3A_16 {offsets = [0, 2176], sizes = [2048, 128], strides = [1, 1]} : vector<2048x4096xf32> to vector<2048x128xf32>
    %gt3A_127 = arith.cmpf ogt, %slice3A_126, %select_n3A_125 : vector<2048x128xf32>
    %add3A_128 = arith.constant 2176 : i32
    %add3A_129 = vector.broadcast %add3A_128 : i32 to vector<2048x128xi32>
    %add3A_130 = arith.addi %iota3A, %add3A_129 : vector<2048x128xi32>
    %select_n3A_131 = arith.select %gt3A_127, %add3A_130, %select_n3A_124 : vector<2048x128xi1>, vector<2048x128xi32>
    %select_n3A_132 = arith.select %gt3A_127, %slice3A_126, %select_n3A_125 : vector<2048x128xi1>, vector<2048x128xf32>
    %slice3A_133 = vector.extract_strided_slice %sub3A_16 {offsets = [0, 2304], sizes = [2048, 128], strides = [1, 1]} : vector<2048x4096xf32> to vector<2048x128xf32>
    %gt3A_134 = arith.cmpf ogt, %slice3A_133, %select_n3A_132 : vector<2048x128xf32>
    %add3A_135 = arith.constant 2304 : i32
    %add3A_136 = vector.broadcast %add3A_135 : i32 to vector<2048x128xi32>
    %add3A_137 = arith.addi %iota3A, %add3A_136 : vector<2048x128xi32>
    %select_n3A_138 = arith.select %gt3A_134, %add3A_137, %select_n3A_131 : vector<2048x128xi1>, vector<2048x128xi32>
    %select_n3A_139 = arith.select %gt3A_134, %slice3A_133, %select_n3A_132 : vector<2048x128xi1>, vector<2048x128xf32>
    %slice3A_140 = vector.extract_strided_slice %sub3A_16 {offsets = [0, 2432], sizes = [2048, 128], strides = [1, 1]} : vector<2048x4096xf32> to vector<2048x128xf32>
    %gt3A_141 = arith.cmpf ogt, %slice3A_140, %select_n3A_139 : vector<2048x128xf32>
    %add3A_142 = arith.constant 2432 : i32
    %add3A_143 = vector.broadcast %add3A_142 : i32 to vector<2048x128xi32>
    %add3A_144 = arith.addi %iota3A, %add3A_143 : vector<2048x128xi32>
    %select_n3A_145 = arith.select %gt3A_141, %add3A_144, %select_n3A_138 : vector<2048x128xi1>, vector<2048x128xi32>
    %select_n3A_146 = arith.select %gt3A_141, %slice3A_140, %select_n3A_139 : vector<2048x128xi1>, vector<2048x128xf32>
    %slice3A_147 = vector.extract_strided_slice %sub3A_16 {offsets = [0, 2560], sizes = [2048, 128], strides = [1, 1]} : vector<2048x4096xf32> to vector<2048x128xf32>
    %gt3A_148 = arith.cmpf ogt, %slice3A_147, %select_n3A_146 : vector<2048x128xf32>
    %add3A_149 = arith.constant 2560 : i32
    %add3A_150 = vector.broadcast %add3A_149 : i32 to vector<2048x128xi32>
    %add3A_151 = arith.addi %iota3A, %add3A_150 : vector<2048x128xi32>
    %select_n3A_152 = arith.select %gt3A_148, %add3A_151, %select_n3A_145 : vector<2048x128xi1>, vector<2048x128xi32>
    %select_n3A_153 = arith.select %gt3A_148, %slice3A_147, %select_n3A_146 : vector<2048x128xi1>, vector<2048x128xf32>
    %slice3A_154 = vector.extract_strided_slice %sub3A_16 {offsets = [0, 2688], sizes = [2048, 128], strides = [1, 1]} : vector<2048x4096xf32> to vector<2048x128xf32>
    %gt3A_155 = arith.cmpf ogt, %slice3A_154, %select_n3A_153 : vector<2048x128xf32>
    %add3A_156 = arith.constant 2688 : i32
    %add3A_157 = vector.broadcast %add3A_156 : i32 to vector<2048x128xi32>
    %add3A_158 = arith.addi %iota3A, %add3A_157 : vector<2048x128xi32>
    %select_n3A_159 = arith.select %gt3A_155, %add3A_158, %select_n3A_152 : vector<2048x128xi1>, vector<2048x128xi32>
    %select_n3A_160 = arith.select %gt3A_155, %slice3A_154, %select_n3A_153 : vector<2048x128xi1>, vector<2048x128xf32>
    %slice3A_161 = vector.extract_strided_slice %sub3A_16 {offsets = [0, 2816], sizes = [2048, 128], strides = [1, 1]} : vector<2048x4096xf32> to vector<2048x128xf32>
    %gt3A_162 = arith.cmpf ogt, %slice3A_161, %select_n3A_160 : vector<2048x128xf32>
    %add3A_163 = arith.constant 2816 : i32
    %add3A_164 = vector.broadcast %add3A_163 : i32 to vector<2048x128xi32>
    %add3A_165 = arith.addi %iota3A, %add3A_164 : vector<2048x128xi32>
    %select_n3A_166 = arith.select %gt3A_162, %add3A_165, %select_n3A_159 : vector<2048x128xi1>, vector<2048x128xi32>
    %select_n3A_167 = arith.select %gt3A_162, %slice3A_161, %select_n3A_160 : vector<2048x128xi1>, vector<2048x128xf32>
    %slice3A_168 = vector.extract_strided_slice %sub3A_16 {offsets = [0, 2944], sizes = [2048, 128], strides = [1, 1]} : vector<2048x4096xf32> to vector<2048x128xf32>
    %gt3A_169 = arith.cmpf ogt, %slice3A_168, %select_n3A_167 : vector<2048x128xf32>
    %add3A_170 = arith.constant 2944 : i32
    %add3A_171 = vector.broadcast %add3A_170 : i32 to vector<2048x128xi32>
    %add3A_172 = arith.addi %iota3A, %add3A_171 : vector<2048x128xi32>
    %select_n3A_173 = arith.select %gt3A_169, %add3A_172, %select_n3A_166 : vector<2048x128xi1>, vector<2048x128xi32>
    %select_n3A_174 = arith.select %gt3A_169, %slice3A_168, %select_n3A_167 : vector<2048x128xi1>, vector<2048x128xf32>
    %slice3A_175 = vector.extract_strided_slice %sub3A_16 {offsets = [0, 3072], sizes = [2048, 128], strides = [1, 1]} : vector<2048x4096xf32> to vector<2048x128xf32>
    %gt3A_176 = arith.cmpf ogt, %slice3A_175, %select_n3A_174 : vector<2048x128xf32>
    %add3A_177 = arith.constant 3072 : i32
    %add3A_178 = vector.broadcast %add3A_177 : i32 to vector<2048x128xi32>
    %add3A_179 = arith.addi %iota3A, %add3A_178 : vector<2048x128xi32>
    %select_n3A_180 = arith.select %gt3A_176, %add3A_179, %select_n3A_173 : vector<2048x128xi1>, vector<2048x128xi32>
    %select_n3A_181 = arith.select %gt3A_176, %slice3A_175, %select_n3A_174 : vector<2048x128xi1>, vector<2048x128xf32>
    %slice3A_182 = vector.extract_strided_slice %sub3A_16 {offsets = [0, 3200], sizes = [2048, 128], strides = [1, 1]} : vector<2048x4096xf32> to vector<2048x128xf32>
    %gt3A_183 = arith.cmpf ogt, %slice3A_182, %select_n3A_181 : vector<2048x128xf32>
    %add3A_184 = arith.constant 3200 : i32
    %add3A_185 = vector.broadcast %add3A_184 : i32 to vector<2048x128xi32>
    %add3A_186 = arith.addi %iota3A, %add3A_185 : vector<2048x128xi32>
    %select_n3A_187 = arith.select %gt3A_183, %add3A_186, %select_n3A_180 : vector<2048x128xi1>, vector<2048x128xi32>
    %select_n3A_188 = arith.select %gt3A_183, %slice3A_182, %select_n3A_181 : vector<2048x128xi1>, vector<2048x128xf32>
    %slice3A_189 = vector.extract_strided_slice %sub3A_16 {offsets = [0, 3328], sizes = [2048, 128], strides = [1, 1]} : vector<2048x4096xf32> to vector<2048x128xf32>
    %gt3A_190 = arith.cmpf ogt, %slice3A_189, %select_n3A_188 : vector<2048x128xf32>
    %add3A_191 = arith.constant 3328 : i32
    %add3A_192 = vector.broadcast %add3A_191 : i32 to vector<2048x128xi32>
    %add3A_193 = arith.addi %iota3A, %add3A_192 : vector<2048x128xi32>
    %select_n3A_194 = arith.select %gt3A_190, %add3A_193, %select_n3A_187 : vector<2048x128xi1>, vector<2048x128xi32>
    %select_n3A_195 = arith.select %gt3A_190, %slice3A_189, %select_n3A_188 : vector<2048x128xi1>, vector<2048x128xf32>
    %slice3A_196 = vector.extract_strided_slice %sub3A_16 {offsets = [0, 3456], sizes = [2048, 128], strides = [1, 1]} : vector<2048x4096xf32> to vector<2048x128xf32>
    %gt3A_197 = arith.cmpf ogt, %slice3A_196, %select_n3A_195 : vector<2048x128xf32>
    %add3A_198 = arith.constant 3456 : i32
    %add3A_199 = vector.broadcast %add3A_198 : i32 to vector<2048x128xi32>
    %add3A_200 = arith.addi %iota3A, %add3A_199 : vector<2048x128xi32>
    %select_n3A_201 = arith.select %gt3A_197, %add3A_200, %select_n3A_194 : vector<2048x128xi1>, vector<2048x128xi32>
    %select_n3A_202 = arith.select %gt3A_197, %slice3A_196, %select_n3A_195 : vector<2048x128xi1>, vector<2048x128xf32>
    %slice3A_203 = vector.extract_strided_slice %sub3A_16 {offsets = [0, 3584], sizes = [2048, 128], strides = [1, 1]} : vector<2048x4096xf32> to vector<2048x128xf32>
    %gt3A_204 = arith.cmpf ogt, %slice3A_203, %select_n3A_202 : vector<2048x128xf32>
    %add3A_205 = arith.constant 3584 : i32
    %add3A_206 = vector.broadcast %add3A_205 : i32 to vector<2048x128xi32>
    %add3A_207 = arith.addi %iota3A, %add3A_206 : vector<2048x128xi32>
    %select_n3A_208 = arith.select %gt3A_204, %add3A_207, %select_n3A_201 : vector<2048x128xi1>, vector<2048x128xi32>
    %select_n3A_209 = arith.select %gt3A_204, %slice3A_203, %select_n3A_202 : vector<2048x128xi1>, vector<2048x128xf32>
    %slice3A_210 = vector.extract_strided_slice %sub3A_16 {offsets = [0, 3712], sizes = [2048, 128], strides = [1, 1]} : vector<2048x4096xf32> to vector<2048x128xf32>
    %gt3A_211 = arith.cmpf ogt, %slice3A_210, %select_n3A_209 : vector<2048x128xf32>
    %add3A_212 = arith.constant 3712 : i32
    %add3A_213 = vector.broadcast %add3A_212 : i32 to vector<2048x128xi32>
    %add3A_214 = arith.addi %iota3A, %add3A_213 : vector<2048x128xi32>
    %select_n3A_215 = arith.select %gt3A_211, %add3A_214, %select_n3A_208 : vector<2048x128xi1>, vector<2048x128xi32>
    %select_n3A_216 = arith.select %gt3A_211, %slice3A_210, %select_n3A_209 : vector<2048x128xi1>, vector<2048x128xf32>
    %slice3A_217 = vector.extract_strided_slice %sub3A_16 {offsets = [0, 3840], sizes = [2048, 128], strides = [1, 1]} : vector<2048x4096xf32> to vector<2048x128xf32>
    %gt3A_218 = arith.cmpf ogt, %slice3A_217, %select_n3A_216 : vector<2048x128xf32>
    %add3A_219 = arith.constant 3840 : i32
    %add3A_220 = vector.broadcast %add3A_219 : i32 to vector<2048x128xi32>
    %add3A_221 = arith.addi %iota3A, %add3A_220 : vector<2048x128xi32>
    %select_n3A_222 = arith.select %gt3A_218, %add3A_221, %select_n3A_215 : vector<2048x128xi1>, vector<2048x128xi32>
    %select_n3A_223 = arith.select %gt3A_218, %slice3A_217, %select_n3A_216 : vector<2048x128xi1>, vector<2048x128xf32>
    %slice3A_224 = vector.extract_strided_slice %sub3A_16 {offsets = [0, 3968], sizes = [2048, 128], strides = [1, 1]} : vector<2048x4096xf32> to vector<2048x128xf32>
    %gt3A_225 = arith.cmpf ogt, %slice3A_224, %select_n3A_223 : vector<2048x128xf32>
    %add3A_226 = arith.constant 3968 : i32
    %add3A_227 = vector.broadcast %add3A_226 : i32 to vector<2048x128xi32>
    %add3A_228 = arith.addi %iota3A, %add3A_227 : vector<2048x128xi32>
    %select_n3A_229 = arith.select %gt3A_225, %add3A_228, %select_n3A_222 : vector<2048x128xi1>, vector<2048x128xi32>
    %select_n3A_230 = arith.select %gt3A_225, %slice3A_224, %select_n3A_223 : vector<2048x128xi1>, vector<2048x128xf32>
    %reduce_max3A = arith.constant dense<0xFF800000> : vector<2048xf32>
    %reduce_max3A_231 = vector.multi_reduction <maximumf>, %select_n3A_230, %reduce_max3A [1] : vector<2048x128xf32> to vector<2048xf32>
    %broadcast_in_dim3A = vector.shape_cast %reduce_max3A_231 : vector<2048xf32> to vector<2048x1xf32>
    %eq3A = vector.broadcast %broadcast_in_dim3A : vector<2048x1xf32> to vector<2048x128xf32>
    %eq3A_232 = arith.cmpf oeq, %select_n3A_230, %eq3A : vector<2048x128xf32>
    %jit3A = arith.constant 8192 : i32
    %broadcast_in_dim3A_233 = vector.broadcast %jit3A : i32 to vector<2048x128xi32>
    %select_n3A_234 = arith.select %eq3A_232, %select_n3A_229, %broadcast_in_dim3A_233 : vector<2048x128xi1>, vector<2048x128xi32>
    %reduce_min3A = arith.constant dense<2147483647> : vector<2048xi32>
    %reduce_min3A_235 = vector.multi_reduction <minsi>, %select_n3A_234, %reduce_min3A [1] : vector<2048x128xi32> to vector<2048xi32>
    %broadcast_in_dim3A_236 = vector.shape_cast %reduce_min3A_235 : vector<2048xi32> to vector<2048x1xi32>
    %mul3A_237 = arith.constant 4096 : i32
    %mul3A_238 = arith.muli %arg1, %mul3A_237 : i32
    %add3A_239 = vector.broadcast %mul3A_238 : i32 to vector<2048x1xi32>
    %add3A_240 = arith.addi %broadcast_in_dim3A_236, %add3A_239 : vector<2048x1xi32>
    %ge3A = arith.constant 1 : i32
    %ge3A_241 = arith.cmpi sge, %arg1, %ge3A : i32
    %eq3A_242 = arith.constant 0 : i32
    %eq3A_243 = arith.cmpi eq, %arg1, %eq3A_242 : i32
    %eq3A_244 = arith.constant 1 : i32
    %eq3A_245 = arith.cmpi eq, %arg1, %eq3A_244 : i32
    %or3A = arith.ori %eq3A_243, %eq3A_245 : i1
    %convert_element_type3A = arith.extui %or3A : i1 to i32
    %cond3A = arith.constant 0 : i32
    %cond3A_246 = arith.cmpi ne, %convert_element_type3A, %cond3A : i32
    scf.if %cond3A_246 {
      %convert_element_type3A_256 = arith.extui %ge3A_241 : i1 to i32
      %cond3A_257 = arith.constant 0 : i32
      %cond3A_258 = arith.cmpi ne, %convert_element_type3A_256, %cond3A_257 : i32
      scf.if %cond3A_258 {
        %swap3A = arith.constant 0 : index
        %swap3A_264 = arith.constant 0 : index
        %swap3A_265 = vector.load %arg9[%swap3A, %swap3A_264] : memref<2048x1xf32, #tpu.memory_space<vmem>>, vector<2048x1xf32>
        tpu.vector_store %arg9[%swap3A, %swap3A_264], %broadcast_in_dim3A {strides = array<i32>} : memref<2048x1xf32, #tpu.memory_space<vmem>>, vector<2048x1xf32>,
        %swap3A_266 = arith.constant 0 : index
        %swap3A_267 = arith.constant 0 : index
        %swap3A_268 = vector.load %arg10[%swap3A_266, %swap3A_267] : memref<2048x1xi32, #tpu.memory_space<vmem>>, vector<2048x1xi32>
        tpu.vector_store %arg10[%swap3A_266, %swap3A_267], %add3A_240 {strides = array<i32>} : memref<2048x1xi32, #tpu.memory_space<vmem>>, vector<2048x1xi32>,
      } else {
      }
      %not3A_259 = arith.constant true
      %not3A_260 = arith.xori %ge3A_241, %not3A_259 : i1
      %convert_element_type3A_261 = arith.extui %not3A_260 : i1 to i32
      %cond3A_262 = arith.constant 0 : i32
      %cond3A_263 = arith.cmpi ne, %convert_element_type3A_261, %cond3A_262 : i32
      scf.if %cond3A_263 {
        %swap3A = arith.constant 0 : index
        %swap3A_264 = arith.constant 0 : index
        %swap3A_265 = vector.load %arg7[%swap3A, %swap3A_264] : memref<2048x1xf32, #tpu.memory_space<vmem>>, vector<2048x1xf32>
        tpu.vector_store %arg7[%swap3A, %swap3A_264], %broadcast_in_dim3A {strides = array<i32>} : memref<2048x1xf32, #tpu.memory_space<vmem>>, vector<2048x1xf32>,
        %swap3A_266 = arith.constant 0 : index
        %swap3A_267 = arith.constant 0 : index
        %swap3A_268 = vector.load %arg8[%swap3A_266, %swap3A_267] : memref<2048x1xi32, #tpu.memory_space<vmem>>, vector<2048x1xi32>
        tpu.vector_store %arg8[%swap3A_266, %swap3A_267], %add3A_240 {strides = array<i32>} : memref<2048x1xi32, #tpu.memory_space<vmem>>, vector<2048x1xi32>,
      } else {
      }
    } else {
    }
    %not3A = arith.constant true
    %not3A_247 = arith.xori %or3A, %not3A : i1
    %convert_element_type3A_248 = arith.extui %not3A_247 : i1 to i32
    %cond3A_249 = arith.constant 0 : i32
    %cond3A_250 = arith.cmpi ne, %convert_element_type3A_248, %cond3A_249 : i32
    scf.if %cond3A_250 {
      %convert_element_type3A_256 = arith.extui %ge3A_241 : i1 to i32
      %cond3A_257 = arith.constant 0 : i32
      %cond3A_258 = arith.cmpi ne, %convert_element_type3A_256, %cond3A_257 : i32
      scf.if %cond3A_258 {
        %get3A_264 = arith.constant 0 : index
        %get3A_265 = arith.constant 0 : index
        %get3A_266 = vector.load %arg9[%get3A_264, %get3A_265] : memref<2048x1xf32, #tpu.memory_space<vmem>>, vector<2048x1xf32>
        %gt3A_267 = arith.cmpf ogt, %broadcast_in_dim3A, %get3A_266 : vector<2048x1xf32>
        %get3A_268 = arith.constant 0 : index
        %get3A_269 = arith.constant 0 : index
        %get3A_270 = vector.load %arg10[%get3A_268, %get3A_269] : memref<2048x1xi32, #tpu.memory_space<vmem>>, vector<2048x1xi32>
        %select_n3A_271 = arith.select %gt3A_267, %add3A_240, %get3A_270 : vector<2048x1xi1>, vector<2048x1xi32>
        %swap3A = arith.constant 0 : index
        %swap3A_272 = arith.constant 0 : index
        %swap3A_273 = vector.load %arg10[%swap3A, %swap3A_272] : memref<2048x1xi32, #tpu.memory_space<vmem>>, vector<2048x1xi32>
        tpu.vector_store %arg10[%swap3A, %swap3A_272], %select_n3A_271 {strides = array<i32>} : memref<2048x1xi32, #tpu.memory_space<vmem>>, vector<2048x1xi32>,
        %get3A_274 = arith.constant 0 : index
        %get3A_275 = arith.constant 0 : index
        %get3A_276 = vector.load %arg9[%get3A_274, %get3A_275] : memref<2048x1xf32, #tpu.memory_space<vmem>>, vector<2048x1xf32>
        %select_n3A_277 = arith.select %gt3A_267, %broadcast_in_dim3A, %get3A_276 : vector<2048x1xi1>, vector<2048x1xf32>
        %swap3A_278 = arith.constant 0 : index
        %swap3A_279 = arith.constant 0 : index
        %swap3A_280 = vector.load %arg9[%swap3A_278, %swap3A_279] : memref<2048x1xf32, #tpu.memory_space<vmem>>, vector<2048x1xf32>
        tpu.vector_store %arg9[%swap3A_278, %swap3A_279], %select_n3A_277 {strides = array<i32>} : memref<2048x1xf32, #tpu.memory_space<vmem>>, vector<2048x1xf32>,
      } else {
      }
      %not3A_259 = arith.constant true
      %not3A_260 = arith.xori %ge3A_241, %not3A_259 : i1
      %convert_element_type3A_261 = arith.extui %not3A_260 : i1 to i32
      %cond3A_262 = arith.constant 0 : i32
      %cond3A_263 = arith.cmpi ne, %convert_element_type3A_261, %cond3A_262 : i32
      scf.if %cond3A_263 {
        %get3A_264 = arith.constant 0 : index
        %get3A_265 = arith.constant 0 : index
        %get3A_266 = vector.load %arg7[%get3A_264, %get3A_265] : memref<2048x1xf32, #tpu.memory_space<vmem>>, vector<2048x1xf32>
        %gt3A_267 = arith.cmpf ogt, %broadcast_in_dim3A, %get3A_266 : vector<2048x1xf32>
        %get3A_268 = arith.constant 0 : index
        %get3A_269 = arith.constant 0 : index
        %get3A_270 = vector.load %arg8[%get3A_268, %get3A_269] : memref<2048x1xi32, #tpu.memory_space<vmem>>, vector<2048x1xi32>
        %select_n3A_271 = arith.select %gt3A_267, %add3A_240, %get3A_270 : vector<2048x1xi1>, vector<2048x1xi32>
        %swap3A = arith.constant 0 : index
        %swap3A_272 = arith.constant 0 : index
        %swap3A_273 = vector.load %arg8[%swap3A, %swap3A_272] : memref<2048x1xi32, #tpu.memory_space<vmem>>, vector<2048x1xi32>
        tpu.vector_store %arg8[%swap3A, %swap3A_272], %select_n3A_271 {strides = array<i32>} : memref<2048x1xi32, #tpu.memory_space<vmem>>, vector<2048x1xi32>,
        %get3A_274 = arith.constant 0 : index
        %get3A_275 = arith.constant 0 : index
        %get3A_276 = vector.load %arg7[%get3A_274, %get3A_275] : memref<2048x1xf32, #tpu.memory_space<vmem>>, vector<2048x1xf32>
        %select_n3A_277 = arith.select %gt3A_267, %broadcast_in_dim3A, %get3A_276 : vector<2048x1xi1>, vector<2048x1xf32>
        %swap3A_278 = arith.constant 0 : index
        %swap3A_279 = arith.constant 0 : index
        %swap3A_280 = vector.load %arg7[%swap3A_278, %swap3A_279] : memref<2048x1xf32, #tpu.memory_space<vmem>>, vector<2048x1xf32>
        tpu.vector_store %arg7[%swap3A_278, %swap3A_279], %select_n3A_277 {strides = array<i32>} : memref<2048x1xf32, #tpu.memory_space<vmem>>, vector<2048x1xf32>,
      } else {
      }
    } else {
    }
    %eq3A_251 = arith.constant 1 : i32
    %eq3A_252 = arith.cmpi eq, %arg1, %eq3A_251 : i32
    %convert_element_type3A_253 = arith.extui %eq3A_252 : i1 to i32
    %cond3A_254 = arith.constant 0 : i32
    %cond3A_255 = arith.cmpi ne, %convert_element_type3A_253, %cond3A_254 : i32
    scf.if %cond3A_255 {
      %get3A_256 = arith.constant 0 : index
      %get3A_257 = arith.constant 0 : index
      %get3A_258 = vector.load %arg7[%get3A_256, %get3A_257] : memref<2048x1xf32, #tpu.memory_space<vmem>>, vector<2048x1xf32>
      %convert_element_type3A_259 = arith.truncf %get3A_258 : vector<2048x1xf32> to vector<2048x1xbf16>
      %convert_element_type3A_260 = arith.extf %convert_element_type3A_259 : vector<2048x1xbf16> to vector<2048x1xf32>
      %get3A_261 = arith.constant 0 : index
      %get3A_262 = arith.constant 0 : index
      %get3A_263 = vector.load %arg9[%get3A_261, %get3A_262] : memref<2048x1xf32, #tpu.memory_space<vmem>>, vector<2048x1xf32>
      %gt3A_264 = arith.cmpf ogt, %get3A_263, %convert_element_type3A_260 : vector<2048x1xf32>
      %get3A_265 = arith.constant 0 : index
      %get3A_266 = arith.constant 0 : index
      %get3A_267 = vector.load %arg10[%get3A_265, %get3A_266] : memref<2048x1xi32, #tpu.memory_space<vmem>>, vector<2048x1xi32>
      %get3A_268 = arith.constant 0 : index
      %get3A_269 = arith.constant 0 : index
      %get3A_270 = vector.load %arg8[%get3A_268, %get3A_269] : memref<2048x1xi32, #tpu.memory_space<vmem>>, vector<2048x1xi32>
      %select_n3A_271 = arith.select %gt3A_264, %get3A_267, %get3A_270 : vector<2048x1xi1>, vector<2048x1xi32>
      %swap3A = arith.constant 0 : index
      %swap3A_272 = arith.constant 0 : index
      %swap3A_273 = vector.load %arg6[%swap3A, %swap3A_272] : memref<2048x1xi32, #tpu.memory_space<vmem>>, vector<2048x1xi32>
      tpu.vector_store %arg6[%swap3A, %swap3A_272], %select_n3A_271 {strides = array<i32>} : memref<2048x1xi32, #tpu.memory_space<vmem>>, vector<2048x1xi32>,
    } else {
    }
    return
  }
  func.func @transform_0(%arg0: i32, %arg1: i32) -> (i32, i32) {
    %c0_i32 = arith.constant 0 : i32
    %c0_i32_0 = arith.constant 0 : i32
    return %arg0, %c0_i32 : i32, i32
  }
  func.func @transform_1(%arg0: i32, %arg1: i32) -> (i32, i32) {
    %c0_i32 = arith.constant 0 : i32
    %c0_i32_0 = arith.constant 0 : i32
    return %c0_i32, %arg1 : i32, i32
  }
  func.func @transform_2(%arg0: i32, %arg1: i32) -> (i32, i32) {
    %c0_i32 = arith.constant 0 : i32
    %c0_i32_0 = arith.constant 0 : i32
    return %arg0, %c0_i32 : i32, i32
  }
  func.func @transform_3(%arg0: i32, %arg1: i32) -> (i32, i32) {
    %c0_i32 = arith.constant 0 : i32
    %c0_i32_0 = arith.constant 0 : i32
    return %c0_i32, %arg1 : i32, i32
  }
  func.func @transform_4(%arg0: i32, %arg1: i32) -> (i32, i32) {
    %c0_i32 = arith.constant 0 : i32
    %c0_i32_0 = arith.constant 0 : i32
    return %arg0, %c0_i32 : i32, i32
  }
}

</mosaic_0001>

<sc_bundles>
// kernel: kernel.4.cloned.1.call-start
scs
__scs_entry_jumppad:
0x0: {  	(pc) =	sbr.rel $0x88, $3  }
0x1: {  	(tag) =	ssettag $0x0;
	lr =	simm.s32 $0x1  }
0x2: {  	[smem:$0x3F9F] =	sst lr;
	_ =	strace $0xD0000000  }
0x3: {  	_ = 	snop  }
0x4: {  	_ = 	snop  }
0x5: {  	_ = 	snop  }
0x6: {  	_ = 	snop  }
0x7: {  	_ = 	snop  }
__scs_overlays_trampoline_lowered:
0x8: {  	[smem:$0x3FAE] =	sst s0  }
0x9: {  	[smem:$0x3FAF] =	sst s1  }
0xa: {  	[smem:$0x3FB0] =	sst s2  }
0xb: {  	[smem:$0x3FB1] =	sst s3  }
0xc: {  	[smem:$0x3FB2] =	sst s4  }
0xd: {  	[smem:$0x3FB3] =	sst s5  }
0xe: {  	[smem:$0x3FB4] =	sst s6  }
0xf: {  	[smem:$0x3FB5] =	sst s7  }
0x10: {  	[smem:$0x3FB6] =	sst s8  }
0x11: {  	[smem:$0x3FB7] =	sst s9;
	s0 =	simm.s32 @!p0 $0x0  }
0x12: {  	s1 =	sld [smem:$0x3F9D];
	s0 =	simm.s32 @p0 $0x1  }
0x13: {  	[smem:$0x3FB8] =	sst s0;
	s0 =	simm.s32 @!p1 $0x0  }
0x14: {  	s2 =	sld [smem:$0x3F9C];
	s0 =	simm.s32 @p1 $0x1  }
0x15: {  	[smem:$0x3FB9] =	sst s0;
	s0 =	simm.s32 @!p2 $0x0  }
0x16: {  	s3 =	sld [smem:$0x3FDB];
	s0 =	simm.s32 @p2 $0x1  }
0x17: {  	s4 =	simm.s32 $0x1BF5;
	[smem:$0x3FBB] =	sst s0  }
0x18: {  	s0 =	sld [smem:$0x3F9E];
	_ =	swait.ge [sflag:s4], $0x0  }
0x19: {  	s7 =	sld [smem:$0x3F9F]  }
0x1a: {  	s8 =	sadd.s32 $0xFFFFE003, lr  }
0x1b: {  	s9 =	sadd.s32 $0xFFFFFEF7, lr;
	s5 =	simm.s32 $0xFFFFFFFF;
	p2 =	slt.u32 s8, $0xFFFFF086  }
0x1c: {  	p1 =	slt.u32 s9, $0xF7A;
	s5 =	simm.s32 @!p2 $0x0  }
0x1d: {  	s5 =	simm.s32 @p1 $0x1;
	p0 =	seq.s32 s7, s2  }
0x1e: {  	s7 =	smul.u32 @!p0 $0xF7A, s2;
	p2 =	seq.s32 @!p0 s5, $0x0  }
0x1f: {  	s9 =	smul.u32 $0xF7A, s1;
	s8 =	simm.s32 @!p0 $0x1BF5;
	p2 =	por !p2, p0  }
0x20: {  	[sflag:s8] =	ssyncset.s32 @!p0 $0xFFFFF086;
	s6 =	sadd.s32 @!p0 s3, s7;
	s7 =	simm.s32 @!p0 $0x108  }
0x21: {  	s3 =	sadd.s32 s3, s9;
	s6 =	sadd.s32 @!p0 $0x88, s6;
	s7 =	simm.s32 @p2 $0x1082  }
0x22: {  	[simem:s7], [sflag:s8] =	dma.local @!p0 [hbm:s6], $0xF7A  }
0x23: {  	s9 =	sor.u32 $0xD0000000, s2;
	s6 =	simm.s32 $0x108;
	_ =	swait.ge @!p0 [sflag:s8], $0x0  }
0x24: {  	s3 =	sadd.s32 $0x88, s3;
	s6 =	simm.s32 @!p1 $0x1082;
	[sflag:s4] =	ssyncset.s32 $0xFFFFF086  }
0x25: {  	[simem:s6], [sflag:s4] =	dma.local [hbm:s3], $0xF7A  }
0x26: {  	[smem:$0x3F9F] =	sst s1;
	(tag) =	ssettag s2;
	_ =	strace s9  }
0x27: {  	s1 =	sld [smem:$0x3FAF]  }
0x28: {  	s2 =	sld [smem:$0x3FB0]  }
0x29: {  	s4 =	sld [smem:$0x3FB2]  }
0x2a: {  	p0 =	seq.s32 s5, $0x0;
	s5 =	sld [smem:$0x3FB3]  }
0x2b: {  	s6 =	sld [smem:$0x3FB4]  }
0x2c: {  	s7 =	sld [smem:$0x3FB5]  }
0x2d: {  	s3 =	simm.s32 $0x108;
	s8 =	sld [smem:$0x3FB6]  }
0x2e: {  	s3 =	simm.s32 @!p0 $0x1082;
	s9 =	sld [smem:$0x3FB7]  }
0x2f: {  	lr =	sadd.s32 s0, s3;
	s0 =	sld [smem:$0x3FAE]  }
0x30: {  	s3 =	sld [smem:$0x3FB1]  }
0x31: {  	[smem:$0x3FBA] =	sst s10  }
0x32: {  	s10 =	sld [smem:$0x3FB8];
	_ =	sdelay $0x3  }
0x33: {  	p0 =	seq.s32 s10, $0x1;
	s10 =	sld [smem:$0x3FBA];
	_ =	sdelay $0x3  }
0x34: {  	[smem:$0x3FBA] =	sst s10  }
0x35: {  	s10 =	sld [smem:$0x3FB9];
	_ =	sdelay $0x3  }
0x36: {  	p1 =	seq.s32 s10, $0x1;
	s10 =	sld [smem:$0x3FBA];
	_ =	sdelay $0x3  }
0x37: {  	[smem:$0x3FBA] =	sst s10  }
0x38: {  	s10 =	sld [smem:$0x3FBB]  }
0x39: {  	_ = 	snop;
	(pc) =	sbr.ind lr, $3  }
0x3a: {  	_ = 	snop  }
0x3b: {  	_ = 	snop  }
0x3c: {  	p2 =	seq.s32 s10, $0x1;
	s10 =	sld [smem:$0x3FBA]  }
0x3d: {  	_ =	shalt  }
0x3e: {  	_ =	shalt  }
0x3f: {  	_ =	shalt  }
0x40: {  	_ =	shalt  }
0x41: {  	_ =	shalt  }
0x42: {  	_ =	shalt  }
0x43: {  	_ =	shalt  }
0x44: {  	_ =	shalt  }
0x45: {  	_ =	shalt  }
0x46: {  	_ =	shalt  }
0x47: {  	_ =	shalt  }
0x48: {  	_ =	shalt  }
0x49: {  	_ =	shalt  }
0x4a: {  	_ =	shalt  }
0x4b: {  	_ =	shalt  }
0x4c: {  	_ =	shalt  }
0x4d: {  	_ =	shalt  }
0x4e: {  	_ =	shalt  }
0x4f: {  	_ =	shalt  }
0x50: {  	_ =	shalt  }
0x51: {  	_ =	shalt  }
0x52: {  	_ =	shalt  }
0x53: {  	_ =	shalt  }
0x54: {  	_ =	shalt  }
0x55: {  	_ =	shalt  }
0x56: {  	_ =	shalt  }
0x57: {  	_ =	shalt  }
0x58: {  	_ =	shalt  }
0x59: {  	_ =	shalt  }
0x5a: {  	_ =	shalt  }
0x5b: {  	_ =	shalt  }
0x5c: {  	_ =	shalt  }
0x5d: {  	_ =	shalt  }
0x5e: {  	_ =	shalt  }
0x5f: {  	_ =	shalt  }
0x60: {  	_ =	shalt  }
0x61: {  	_ =	shalt  }
0x62: {  	_ =	shalt  }
0x63: {  	_ =	shalt  }
0x64: {  	_ =	shalt  }
0x65: {  	_ =	shalt  }
0x66: {  	_ =	shalt  }
0x67: {  	_ =	shalt  }
0x68: {  	_ =	shalt  }
0x69: {  	_ =	shalt  }
0x6a: {  	_ =	shalt  }
0x6b: {  	_ =	shalt  }
0x6c: {  	_ =	shalt  }
0x6d: {  	_ =	shalt  }
0x6e: {  	_ =	shalt  }
0x6f: {  	_ =	shalt  }
0x70: {  	_ =	shalt  }
0x71: {  	_ =	shalt  }
0x72: {  	_ =	shalt  }
0x73: {  	_ =	shalt  }
0x74: {  	_ =	shalt  }
0x75: {  	_ =	shalt  }
0x76: {  	_ =	shalt  }
0x77: {  	_ =	shalt  }
0x78: {  	_ =	shalt  }
0x79: {  	_ =	shalt  }
0x7a: {  	_ =	shalt  }
0x7b: {  	_ =	shalt  }
0x7c: {  	_ =	shalt  }
0x7d: {  	_ =	shalt  }
0x7e: {  	_ =	shalt  }
0x7f: {  	_ =	shalt  }
0x80: {  	_ =	shalt  }
0x81: {  	_ =	shalt  }
0x82: {  	_ =	shalt  }
0x83: {  	_ =	shalt  }
0x84: {  	_ =	shalt  }
0x85: {  	_ =	shalt  }
0x86: {  	_ =	shalt  }
0x87: {  	_ =	shalt  }
.Lfunc_end0:
.L_simem_size_0:
called_computation_lowered:
.L_overlay_start_0:
0x88: {  	s2 =	sld [smem:$0x3FD9]  }
0x89: {  	s3 =	sld [smem:$0x3FFE];
	_ =	sdelay $0x1  }
0x8a: {  	s1 =	srdreg.scid  }
0x8b: {  	s0 =	sand.u32 $0x1, s1  }
0x8c: {  	s17 =	sshll.u32 s0, $0xA;
	s2 =	sadd.s32 s3, s2  }
0x8d: {  	s2 =	sadd.s32 s2, s17  }
0x8e: {  	[smem:$0x3FC6] =	sst s2  }
0x8f: {  	_ = 	snop  }
0x90: {  	s2 =	sld [smem:$0x3FD0];
	(tm) =	ssettm $0x1  }
0x91: {  	s18 =	sld [smem:$0x3FFB];
	_ =	sdelay $0x3  }
0x92: {  	_ =	strace s18  }
0x93: {  	s3 =	sld [smem:$0x3FFC];
	_ =	sdelay $0x3  }
0x94: {  	_ =	strace s3  }
0x95: {  	s3 =	sld [smem:$0x3FFD];
	_ =	sdelay $0x3  }
0x96: {  	_ =	strace s3  }
0x97: {  	_ =	strace $0x8FFFFFFF  }
0x98: {  	s19 =	sld [smem:$0x3FDB];
	_ =	sdelay $0x1  }
0x99: {  	s4 =	simm.s32 $_scs_section_size  }
0x9a: {  	s5 =	simm.s32 $_size__tile_overlayer_lowered;
	s6 =	simm.s32 $_tile_overlayer_lowered  }
0x9b: {  	s22 =	simm.s32 $0x1BFF;
	s21 =	sshll.u32 s6, $0x1;
	s3 =	sadd.s32 s4, s19  }
0x9c: {  	s7 =	simm.s32 $0x0;
	s20 =	sshll.u32 s5, $0x1;
	s5 =	sadd.s32 s21, s3  }
0x9d: {  	[timem:s7], [sflag:s22] =	dma.local [hbm:s5], s20  }
0x9e: {  	_ =	swait.ge [sflag:s22], s20  }
0x9f: {  	s4 =	ssub.s32 $0x0, s20;
	[sflag:s22] =	ssyncset.done $0x0  }
0xa0: {  	[sflag:s22] =	ssyncadd.s32 s4;
	_ =	sdelay $0x1  }
0xa1: {  	s23 =	simm.s32 $0x1B8B  }
0xa2: {  	_ =	swait.ge [sflag:s23], $0x1  }
0xa3: {  	[sflag:s23] =	ssyncset.done $0x0  }
0xa4: {  	s25 =	simm.s32 $0x1B8E;
	s24 =	sld [smem:$0x3FFE];
	[sflag:s23] =	ssyncadd.s32 $0xFFFFFFFF  }
0xa5: {  	s26 =	simm.s32 $execute0_lowered;
	[smem:$0x3FD2] =	sst s25  }
0xa6: {  	s5 =	sshll.u32 s26, $0x1;
	_ =	strace $0x80000046;
	[dreg:$0x1] =	wrdreg $0xFFFFFFFF  }
0xa7: {  	s28 =	simm.s32 $_size_execute0_lowered;
	s3 =	sadd.s32 s3, s5;
	[dreg:$0x0] =	wrdreg $0x0  }
0xa8: {  	s5 =	sshll.u32 s28, $0x1;
	[dreg:$0x2] =	wrdreg s3  }
0xa9: {  	[dreg:$0x3] =	wrdreg s5  }
0xaa: {  	[dreg:$0x4] =	wrdreg $0xC0  }
0xab: {  	_ =	task [dreg:s7], $0x5FFFF  }
0xac: {  	[dreg:$0x1] =	wrdreg $0xFFFFFFFF  }
0xad: {  	[dreg:$0x0] =	wrdreg $0x60  }
0xae: {  	[dreg:$0x2] =	wrdreg s2  }
0xaf: {  	[dreg:$0x3] =	wrdreg s24  }
0xb0: {  	[dreg:$0x4] =	wrdreg $0x9  }
0xb1: {  	_ =	task.clear_ibuf [dreg:s7], $0x5FFFF;
	_ =	strace $0x90000046  }
0xb2: {  	s29 =	simm.s32 $0x9;
	_ =	strace $0x80000048  }
0xb3: {  	_ =	swait.ge [sflag:s29], $0x1  }
0xb4: {  	[sflag:s29] =	ssyncadd.s32 $0xFFFFFFFF  }
0xb5: {  	_ =	strace $0x90000048  }
0xb6: {  	_ =	sfence  }
0xb7: {  	s30 =	sld [smem:$0x0];
	_ =	sdelay $0x2  }
0xb8: {  	s31 =	sshll.u32 s1, $0xD;
	s1 =	sshrl.u32 s1, $0x2  }
0xb9: {  	s3 =	sand.u32 $0x4000, s31;
	s1 =	sadd.s32 s1, s30  }
0xba: {  	s0 =	sor.u32 s3, s0;
	s1 =	sshll.u32 s1, $0x11  }
0xbb: {  	s0 =	sor.u32 s1, s0  }
0xbc: {  	s0 =	sadd.s32 $0x8F2B, s0  }
0xbd: {  	[sflag:s0] =	ssyncadd.remote.s32 $0x1  }
0xbe: {  	_ =	sfence.sel $0xFFFF  }
0xbf: {  	[dreg:$0x0] =	wrdreg $0xFFFFFFFF;
	(pc) =	sbr.abs _section_cstart, $3  }
0xc0: {  	[dreg:$0x1] =	wrdreg $0xFFFFFFFF  }
0xc1: {  	_ =	task.clear_ibuf [dreg:s7], $0x2FFFF;
	_ =	strace $0x9FFFFFFF  }
0xc2: {  	(tm) =	ssettm $0x7FFFFFFF  }
0xc3: {  	_ =	shalt  }
tec
execute0_lowered:
.L_overlay_start_1:
0x0: {  	(tag) =	ssettag $0x1  }
0x1: {  	s4 =	rddreg [dreg:$0x0]  }
0x2: {  	s2 =	rddreg [dreg:$0x1];
	s1 =	srdreg.scid  }
0x3: {  	s0 =	rddreg [dreg:$0x2];
	s14 =	sand.u32 $0x1, s1  }
0x4: {  	s3 =	simm.s32 $0x0;
	s1 =	stileid.u32;
	s5 =	sshll.u32 s14, $0x6  }
0x5: {  	[smem:$0x7FF] =	sst s3;
	s6 =	sshll.u32 s1, $0x7;
	s4 =	sadd.s32 s4, s5  }
0x6: {  	_ =	strace $0x80000047;
	s5 =	sadd.s32 s6, s4;
	s4 =	simm.s32 $0x2  }
0x7: {  	[tilespmem:s3], [sflag:$0x2] =	stream.linear.gather [hbm4b:s5+s3], $0x200, $0x38;
	[tilespmem:$0x10200] =	vst v63  }
0x8: {  	_ =	swait.ge [sflag:s4], $0x200  }
0x9: {  	[sflag:s4] =	ssyncset.done $0x0  }
0xa: {  	s7 =	simm.s32 $0x200;
	s6 =	simm.s32 $0x80;
	[sflag:s4] =	ssyncadd.s32 $0xFFFFFE00  }
0xb: {  	[tilespmem:s7], [sflag:$0x1] =	stream.indirect.gather [hbm4b:s2+s6], $0x80, s3, s6, $0xb8;
	[tilespmem:$0x10200] =	vst v63  }
0xc: {  	s8 =	simm.s32 $0x4200  }
0xd: {  	[tilespmem:s8], [sflag:$0x1] =	stream.indirect.gather [hbm4b:s2+s6], $0x80, s6, s6, $0xb8;
	[tilespmem:$0x10200] =	vst v63  }
0xe: {  	s9 =	simm.s32 $0x100;
	s10 =	simm.s32 $0x8200  }
0xf: {  	[tilespmem:s10], [sflag:$0x1] =	stream.indirect.gather [hbm4b:s2+s6], $0x80, s9, s6, $0xb8;
	[tilespmem:$0x10200] =	vst v63  }
0x10: {  	s11 =	simm.s32 $0x180;
	s12 =	simm.s32 $0xC200;
	s13 =	simm.s32 $0x1  }
0x11: {  	[tilespmem:s12], [sflag:$0x1] =	stream.indirect.gather [hbm4b:s2+s6], $0x80, s11, s6, $0xb8;
	[tilespmem:$0x10200] =	vst v63  }
0x12: {  	_ =	swait.ge [sflag:s13], $0x4000  }
0x13: {  	[sflag:s13] =	ssyncset.done $0x0  }
0x14: {  	[sflag:s13] =	ssyncadd.s32 $0xFFFFC000  }
0x15: {  	_ =	swait.ge [sflag:s13], $0x4000  }
0x16: {  	[sflag:s13] =	ssyncset.done $0x0  }
0x17: {  	s15 =	sshll.u32 s14, $0xD;
	s14 =	ssub.s32 $0x2, s14;
	[sflag:s13] =	ssyncadd.s32 $0xFFFFC000  }
0x18: {  	s16 =	sshrl.u32 s14, $0x1;
	_ =	swait.ge [sflag:s13], $0x4000  }
0x19: {  	s16 =	ssub.s32 s14, s16;
	[sflag:s13] =	ssyncset.done $0x0  }
0x1a: {  	s17 =	sshll.u32 s1, $0xE;
	s31 =	smax.u32 s16, $0x1;
	[sflag:s13] =	ssyncadd.s32 $0xFFFFC000  }
0x1b: {  	s15 =	sadd.s32 s15, s2;
	p0 =	sne.s32 s31, $0x1;
	_ =	swait.ge [sflag:s13], $0x4000  }
.Ltmp0:
0x1c: {  	s30 =	sadd.s32 s17, s15;
	[sflag:s13] =	ssyncset.done $0x0;
	(pc) =	sbr.rel @!p0 .LBB2_2-.Ltmp0, $4  }
0x1d: {  	s14 =	sadd.s32 $0x20000, s30;
	[sflag:s13] =	ssyncadd.s32 $0xFFFFC000  }
0x1e: {  	[hbm4b:s14+s3] =	stream.linear.scatter [tilespmem:s7], [sflag:$0x2], $0x10000, $0x38;
	[tilespmem:$0x10200] =	vst v63  }
0x1f: {  	_ =	swait.ge [sflag:s4], $0x10000  }
0x20: {  	s15 =	sadd.s32 $0xFFFFFFFF, s31;
	[sflag:s4] =	ssyncset.done $0x0  }
.LBB2_1:
0x21: {  	p0 =	sne.s32 s15, $0x1;
	s15 =	sadd.s32 $0xFFFFFFFF, s15;
	[sflag:s4] =	ssyncadd.s32 $0xFFFF0000  }
0x22: {  	[tilespmem:s3], [sflag:$0x2] =	stream.linear.gather [hbm4b:s5+s3], $0x200, $0x38;
	[tilespmem:$0x10200] =	vst v63  }
0x23: {  	_ =	swait.ge [sflag:s4], $0x200  }
0x24: {  	[sflag:s4] =	ssyncset.done $0x0  }
0x25: {  	[sflag:s4] =	ssyncadd.s32 $0xFFFFFE00  }
0x26: {  	[tilespmem:s7], [sflag:$0x1] =	stream.indirect.gather [hbm4b:s2+s6], $0x80, s3, s6, $0xb8;
	[tilespmem:$0x10200] =	vst v63  }
0x27: {  	_ = 	snop  }
0x28: {  	[tilespmem:s8], [sflag:$0x1] =	stream.indirect.gather [hbm4b:s2+s6], $0x80, s6, s6, $0xb8;
	[tilespmem:$0x10200] =	vst v63  }
0x29: {  	_ = 	snop  }
0x2a: {  	[tilespmem:s10], [sflag:$0x1] =	stream.indirect.gather [hbm4b:s2+s6], $0x80, s9, s6, $0xb8;
	[tilespmem:$0x10200] =	vst v63  }
0x2b: {  	_ = 	snop  }
0x2c: {  	[tilespmem:s12], [sflag:$0x1] =	stream.indirect.gather [hbm4b:s2+s6], $0x80, s11, s6, $0xb8;
	[tilespmem:$0x10200] =	vst v63  }
0x2d: {  	_ =	swait.ge [sflag:s13], $0x4000  }
0x2e: {  	[sflag:s13] =	ssyncset.done $0x0  }
0x2f: {  	[sflag:s13] =	ssyncadd.s32 $0xFFFFC000  }
0x30: {  	_ =	swait.ge [sflag:s13], $0x4000  }
0x31: {  	[sflag:s13] =	ssyncset.done $0x0  }
0x32: {  	[sflag:s13] =	ssyncadd.s32 $0xFFFFC000  }
0x33: {  	_ =	swait.ge [sflag:s13], $0x4000  }
0x34: {  	[sflag:s13] =	ssyncset.done $0x0  }
0x35: {  	[sflag:s13] =	ssyncadd.s32 $0xFFFFC000  }
0x36: {  	_ =	swait.ge [sflag:s13], $0x4000  }
.Ltmp1:
0x37: {  	[sflag:s13] =	ssyncset.done $0x0;
	(pc) =	sbr.rel @p0 .LBB2_1-.Ltmp1, $4  }
0x38: {  	[sflag:s13] =	ssyncadd.s32 $0xFFFFC000  }
0x39: {  	[hbm4b:s14+s3] =	stream.linear.scatter [tilespmem:s7], [sflag:$0x2], $0x10000, $0x38;
	[tilespmem:$0x10200] =	vst v63  }
0x3a: {  	_ =	swait.ge [sflag:s4], $0x10000  }
0x3b: {  	[sflag:s4] =	ssyncset.done $0x0  }
.LBB2_2:
0x3c: {  	[sflag:s4] =	ssyncadd.s32 $0xFFFF0000  }
0x3d: {  	_ =	sfence.sel $0x180000  }
0x3e: {  	[bflag:$0x0] =	sbarrier.arrive $0xFFFF  }
0x3f: {  	p0 =	sne.s32 s1, $0x0;
	_ =	strace $0x90000047  }
0x40: {  	s0 =	sadd.s32 @!p0 $0x100000, s0;
	[bflag:$0x2] =	sbarrier.arrive $0xFFFF  }
0x41: {  	[sflag:s0] =	ssyncadd.tile.s32 @!p0 $0x1;
	_ =	shalt  }
.Lfunc_end2:
_tile_overlayer_lowered:
.L_overlay_start_2:
0x42: {  	(tag) =	ssettag $0x2  }
0x43: {  	s0 =	rddreg [dreg:$0x0];
	s2 =	stileid.u32  }
0x44: {  	s1 =	rddreg [dreg:$0x1];
	p0 =	sne.s32 s2, $0x0  }
0x45: {  	s3 =	rddreg [dreg:$0x2];
	[bflag:$0x3] =	sbarrier.arrive $0xFFFF;
	s2 =	simm.s32 @!p0 $0x1C02  }
0x46: {  	[timem:s3], [sflag:s2] =	dma.local @!p0 [hbm:s0], s1  }
0x47: {  	s0 =	simm.s32 @!p0 $0x2  }
0x48: {  	_ =	swait.ge @!p0 [sflag:s0], s1  }
0x49: {  	s1 =	ssub.s32 @!p0 $0x0, s1;
	[sflag:s0] =	ssyncset.done @!p0 $0x0  }
0x4a: {  	[sflag:s0] =	ssyncadd.s32 @!p0 s1  }
0x4b: {  	[bflag:$0x3] =	sbarrier.arrive $0xFFFF  }
0x4c: {  	_ =	shalt  }

</sc_bundles>
